<compile_context>
chip_gen: v7x
topology: tpu7x:2x2x1
jax: 0.10.2.dev20260603
libtpu: 0.0.44.dev20260713+nightly
codegen_flags: <defaults>
</compile_context>

<pallas_src>
import dataclasses
import functools

import jax
import jax.numpy as jnp
from jax.experimental import pallas as pl
from jax.experimental.pallas import tpu as pltpu
from jax.experimental.pallas import tpu_sc as plsc


def _sc_counts_body(bid_hbm, o_hbm, buf, pub):
    c = jax.lax.axis_index("c")
    s = jax.lax.axis_index("s")

    @pl.when((c == 0) & (s == 0))
    def _search():
        pltpu.sync_copy(bid_hbm, buf)
        n = buf.shape[0]
        lane = jax.lax.iota(jnp.int32, 16)

        def lower_bound(target):
            def step(_, lohi):
                lo, hi = lohi
                mid = jax.lax.div(lo + hi, 2)
                v = plsc.load_gather(buf, [mid])
                p = v < target
                return jnp.where(p, mid + 1, lo), jnp.where(p, hi, mid)

            lo = jnp.zeros((16,), jnp.int32)
            hi = jnp.full((16,), n, jnp.int32)
            lo, hi = jax.lax.fori_loop(0, max(1, (n - 1).bit_length()), step, (lo, hi))
            return lo

        starts = lower_bound(lane)
        counts = lower_bound(lane + 1) - starts
        pub[0, pl.ds(0, 16)] = starts
        pub[0, pl.ds(16, 16)] = counts
        for k in range(2, 8):
            pub[0, pl.ds(16 * k, 16)] = jnp.zeros((16,), jnp.int32)
        pltpu.sync_copy(pub, o_hbm)


def _sc_counts(batch_id, interpret=False):
    n = batch_id.shape[0]
    bid = batch_id
    cp = pltpu.CompilerParams()
    if "needs_layout_passes" in pltpu.CompilerParams.__dataclass_fields__:
        cp = dataclasses.replace(cp, needs_layout_passes=False)
    run = pl.kernel(
        _sc_counts_body,
        out_type=jax.ShapeDtypeStruct((1, 128), jnp.int32),
        mesh=plsc.VectorSubcoreMesh(core_axis_name="c", subcore_axis_name="s",
                                    num_cores=1),
        scratch_types=[
            pltpu.VMEM((n,), jnp.int32),
            pltpu.VMEM((1, 128), jnp.int32),
        ],
        compiler_params=cp,
        interpret=interpret,
    )
    return run(bid)


def _fused_body(counts_ref, post_ref, w1_ref, b1_ref, w2_ref, b2_ref, out_ref,
                *, chunk, n_chunks):
    b = pl.program_id(0)
    start = counts_ref[0, b]
    cnt = counts_ref[0, 16 + b]

    for sub in range(n_chunks):
        sub_base = sub * chunk

        @pl.when(sub_base >= cnt)
        def _zero(sub_base=sub_base):
            out_ref[0, pl.ds(sub_base, chunk), :] = jnp.zeros(
                (chunk, out_ref.shape[2]), jnp.float32)

        @pl.when(sub_base < cnt)
        def _compute(sub_base=sub_base):
            src = start + sub_base
            aligned = (src // 128) * 128
            rem = src - aligned
            sl = post_ref[:, pl.ds(aligned, chunk + 128)]
            sl = pltpu.roll(sl, (chunk + 128) - rem, 1)[:, :chunk]
            h = jax.lax.dot_general(sl, w1_ref[...], (((0,), (0,)), ((), ())),
                                    preferred_element_type=jnp.float32,
                                    precision=jax.lax.Precision.DEFAULT)
            h = jnp.maximum(h + b1_ref[...], 0.0)
            f = jax.lax.dot_general(h, w2_ref[...], (((1,), (0,)), ((), ())),
                                    preferred_element_type=jnp.float32,
                                    precision=jax.lax.Precision.DEFAULT)
            f = f + b2_ref[...]
            row_ids = jax.lax.broadcasted_iota(jnp.int32, f.shape, 0)
            f = jnp.where(sub_base + row_ids < cnt, f, 0.0)
            out_ref[0, pl.ds(sub_base, chunk), :] = f


def _run(position, batch_id, W1, b1, W2, b2, *, batches, maxl, chunk,
         interpret=False):
    n = position.shape[0]
    d = W2.shape[1]
    counts = _sc_counts(batch_id, interpret=interpret)
    post = position[:, :3, :].reshape(n, 9).T
    post = jnp.pad(post, ((0, 0), (0, chunk + 128)))
    b1r = b1.reshape(1, d)
    b2r = b2.reshape(1, d)

    grid = (batches,)
    out = pl.pallas_call(
        functools.partial(_fused_body, chunk=chunk, n_chunks=maxl // chunk),
        grid=grid,
        in_specs=[
            pl.BlockSpec(memory_space=pltpu.SMEM),
            pl.BlockSpec(post.shape, lambda b: (0, 0)),
            pl.BlockSpec(W1.shape, lambda b: (0, 0)),
            pl.BlockSpec((1, d), lambda b: (0, 0)),
            pl.BlockSpec(W2.shape, lambda b: (0, 0)),
            pl.BlockSpec((1, d), lambda b: (0, 0)),
        ],
        out_specs=pl.BlockSpec((1, maxl, d), lambda b: (b, 0, 0)),
        out_shape=jax.ShapeDtypeStruct((batches, maxl, d), jnp.float32),
        compiler_params=pltpu.CompilerParams(
            dimension_semantics=("parallel",)),
        interpret=interpret,
    )(counts, post, W1, b1r, W2, b2r)
    return out


def kernel(position, batch_id, W1, b1, W2, b2):
    return _run(position, batch_id, W1, b1, W2, b2,
                batches=16, maxl=2048, chunk=512)

# --- scband reference (transcript-rebuilt; emitter-appended) ---
"""Pipeline reference for scband-memo-esmif-19138374271390 (READ-ONLY COPY).

The authoritative reference and input builder live on the scoring server;
editing this copy changes nothing except your own understanding.
"""

import jax, jax.numpy as jnp
import numpy as np

B = 16
MAXL = 2048
D = 512
N_TOK = 16384


def setup_inputs(seed: int = 0) -> dict:
    key = jax.random.key(seed)
    k1, k2, k3, k4 = jax.random.split(key, 4)
    position = jax.random.normal(k1, (N_TOK, 4, 3), dtype=jnp.float32)
    batch_id = jnp.sort(jax.random.randint(k2, (N_TOK,), 0, B)).astype(jnp.int32)
    # Stand-in parameters for the (undefined) PretrainESMIF encoder:
    # a 2-layer MLP over the 3 backbone atoms (3x3=9 coords) -> 512-dim features.
    W1 = jax.random.normal(k3, (9, D), dtype=jnp.float32) * 0.05
    b1 = jnp.zeros((D,), dtype=jnp.float32)
    W2 = jax.random.normal(k4, (D, D), dtype=jnp.float32) * 0.05
    b2 = jnp.zeros((D,), dtype=jnp.float32)
    return {"position": position, "batch_id": batch_id, "W1": W1, "b1": b1, "W2": W2, "b2": b2}


def reference(position, batch_id, W1, b1, W2, b2):
    N = position.shape[0]
    # num_nodes = scatter_sum(ones, batch_id)
    ones = jnp.ones((N,), dtype=jnp.int32)
    num_nodes = jax.ops.segment_sum(ones, batch_id, num_segments=B)
    # within-segment position for each node (batch_id is sorted)
    csum = jnp.cumsum(num_nodes)
    starts = jnp.concatenate([jnp.zeros((1,), csum.dtype), csum[:-1]])
    idx_in_seg = jnp.arange(N, dtype=jnp.int32) - starts[batch_id].astype(jnp.int32)
    # rebatch: take first 3 backbone atoms -> PretrainESMIF stand-in encoder
    pos = position[:, :3, :].reshape(N, 9)
    h = jax.nn.relu(pos @ W1 + b1)
    feat = h @ W2 + b2
    # initoutput + update: scatter per-node features into padded [B, maxL, 512]
    out_embeds = jnp.zeros((B, MAXL, D), dtype=jnp.float32).at[batch_id, idx_in_seg].set(feat)
    return out_embeds

if __name__ == "__main__":
    import jax
    _d = setup_inputs()
    print(jax.jit(kernel)(*tuple(_d.values())))

</pallas_src>

<mosaic_0001>
#map = affine_map<(d0, d1) -> (0)>
#map1 = affine_map<(d0, d1) -> (0, 0)>
module attributes {stable_mosaic.version = 14 : i64} {
  func.func @_sc_counts_body(%arg0: i32, %arg1: i32, %arg2: memref<16384xi32, #tpu.memory_space<hbm>>, %arg3: memref<1x128xi32, #tpu.memory_space<hbm>>, %arg4: memref<16384xi32, #tpu.memory_space<vmem>>, %arg5: memref<1x128xi32, #tpu.memory_space<vmem>>) attributes {dimension_semantics = [#tpu.dimension_semantics<core_parallel>, #tpu.dimension_semantics<subcore_parallel>], iteration_bounds = array<i64: 1, 16>, scalar_prefetch = 0 : i64, scratch_operands = 2 : i64, tpu.core_type = #tpu.core_type<sc_vector_subcore>, window_params = [{transform_indices = #map}, {transform_indices = #map1}]} {
    %eq3A = arith.constant 0 : i32
    %eq3A_0 = arith.cmpi eq, %arg0, %eq3A : i32
    %eq3A_1 = arith.constant 0 : i32
    %eq3A_2 = arith.cmpi eq, %arg1, %eq3A_1 : i32
    %and3A = arith.andi %eq3A_0, %eq3A_2 : i1
    %convert_element_type3A = arith.extui %and3A : i1 to i32
    %cond3A = arith.constant 0 : i32
    %cond3A_3 = arith.cmpi ne, %convert_element_type3A, %cond3A : i32
    scf.if %cond3A_3 {
      "tpu.region"() ({
        %run_scoped3A = tpu.sem_alloc : memref<!tpu.dma_semaphore, #tpu.memory_space<semaphore_mem>>
        tpu.enqueue_dma source(%arg2 : memref<16384xi32, #tpu.memory_space<hbm>>) target(%arg4 : memref<16384xi32, #tpu.memory_space<vmem>>) target_semaphore(%run_scoped3A : memref<!tpu.dma_semaphore, #tpu.memory_space<semaphore_mem>>)
        tpu.wait_dma2 semaphore(%run_scoped3A : memref<!tpu.dma_semaphore, #tpu.memory_space<semaphore_mem>>) src(%arg2 : memref<16384xi32, #tpu.memory_space<hbm>>) dst(%arg4 : memref<16384xi32, #tpu.memory_space<vmem>>)
        tpu.yield
      }) : () -> ()
      %iota3A = tpu.iota {dimensions = array<i32: 0>} : vector<16xi32>
      %broadcast_in_dim3A = arith.constant 0 : i32
      %broadcast_in_dim3A_4 = vector.broadcast %broadcast_in_dim3A : i32 to vector<16xi32>
      %broadcast_in_dim3A_5 = arith.constant 16384 : i32
      %broadcast_in_dim3A_6 = vector.broadcast %broadcast_in_dim3A_5 : i32 to vector<16xi32>
      %scan3A = arith.constant 0 : i32
      %scan3A_7 = arith.constant 14 : i32
      %scan3A_8 = arith.addi %scan3A, %scan3A_7 : i32
      %scan3A_9 = arith.constant 1 : i32
      %scan3A_10:2 = scf.for %scan3A_67 = %scan3A to %scan3A_8 step %scan3A_9 iter_args(%scan3A_68 = %broadcast_in_dim3A_4, %scan3A_69 = %broadcast_in_dim3A_6) -> (vector<16xi32>, vector<16xi32>)  : i32 {
        %add3A_70 = arith.addi %scan3A_68, %scan3A_69 : vector<16xi32>
        %div3A = arith.constant 2 : i32
        %div3A_71 = vector.broadcast %div3A : i32 to vector<16xi32>
        %div3A_72 = arith.divsi %add3A_70, %div3A_71 : vector<16xi32>
        %gather3A = tpu.vector_load_idx %arg4[%div3A_72] : memref<16384xi32, #tpu.memory_space<vmem>>[vector<16xi32>], vector<16xi32>,
        %lt3A = arith.cmpi slt, %gather3A, %iota3A : vector<16xi32>
        %add3A_73 = arith.constant 1 : i32
        %add3A_74 = vector.broadcast %add3A_73 : i32 to vector<16xi32>
        %add3A_75 = arith.addi %div3A_72, %add3A_74 : vector<16xi32>
        %select_n3A = arith.select %lt3A, %add3A_75, %scan3A_68 : vector<16xi1>, vector<16xi32>
        %select_n3A_76 = arith.select %lt3A, %scan3A_69, %div3A_72 : vector<16xi1>, vector<16xi32>
        scf.yield %select_n3A, %select_n3A_76 : vector<16xi32>, vector<16xi32>
      }
      %scan3A_11 = arith.constant 14 : i32
      %add3A = arith.constant 1 : i32
      %add3A_12 = vector.broadcast %add3A : i32 to vector<16xi32>
      %add3A_13 = arith.addi %iota3A, %add3A_12 : vector<16xi32>
      %broadcast_in_dim3A_14 = arith.constant 0 : i32
      %broadcast_in_dim3A_15 = vector.broadcast %broadcast_in_dim3A_14 : i32 to vector<16xi32>
      %broadcast_in_dim3A_16 = arith.constant 16384 : i32
      %broadcast_in_dim3A_17 = vector.broadcast %broadcast_in_dim3A_16 : i32 to vector<16xi32>
      %scan3A_18 = arith.constant 0 : i32
      %scan3A_19 = arith.constant 14 : i32
      %scan3A_20 = arith.addi %scan3A_18, %scan3A_19 : i32
      %scan3A_21 = arith.constant 1 : i32
      %scan3A_22:2 = scf.for %scan3A_67 = %scan3A_18 to %scan3A_20 step %scan3A_21 iter_args(%scan3A_68 = %broadcast_in_dim3A_15, %scan3A_69 = %broadcast_in_dim3A_17) -> (vector<16xi32>, vector<16xi32>)  : i32 {
        %add3A_70 = arith.addi %scan3A_68, %scan3A_69 : vector<16xi32>
        %div3A = arith.constant 2 : i32
        %div3A_71 = vector.broadcast %div3A : i32 to vector<16xi32>
        %div3A_72 = arith.divsi %add3A_70, %div3A_71 : vector<16xi32>
        %gather3A = tpu.vector_load_idx %arg4[%div3A_72] : memref<16384xi32, #tpu.memory_space<vmem>>[vector<16xi32>], vector<16xi32>,
        %lt3A = arith.cmpi slt, %gather3A, %add3A_13 : vector<16xi32>
        %add3A_73 = arith.constant 1 : i32
        %add3A_74 = vector.broadcast %add3A_73 : i32 to vector<16xi32>
        %add3A_75 = arith.addi %div3A_72, %add3A_74 : vector<16xi32>
        %select_n3A = arith.select %lt3A, %add3A_75, %scan3A_68 : vector<16xi1>, vector<16xi32>
        %select_n3A_76 = arith.select %lt3A, %scan3A_69, %div3A_72 : vector<16xi1>, vector<16xi32>
        scf.yield %select_n3A, %select_n3A_76 : vector<16xi32>, vector<16xi32>
      }
      %scan3A_23 = arith.constant 14 : i32
      %sub3A = arith.subi %scan3A_22#0, %scan3A_10#0 : vector<16xi32>
      %swap3A = arith.constant 0 : i32
      %swap3A_24 = arith.index_cast %swap3A : i32 to index
      %swap3A_25 = arith.constant 0 : index
      %swap3A_26 = tpu.vector_load %arg5[%swap3A_24, %swap3A_25] {strides = array<i32>} : memref<1x128xi32, #tpu.memory_space<vmem>>, vector<16xi32>,
      tpu.vector_store %arg5[%swap3A_24, %swap3A_25], %scan3A_10#0 {strides = array<i32>} : memref<1x128xi32, #tpu.memory_space<vmem>>, vector<16xi32>,
      %swap3A_27 = arith.constant 0 : i32
      %swap3A_28 = arith.index_cast %swap3A_27 : i32 to index
      %swap3A_29 = arith.constant 16 : index
      %swap3A_30 = tpu.vector_load %arg5[%swap3A_28, %swap3A_29] {strides = array<i32>} : memref<1x128xi32, #tpu.memory_space<vmem>>, vector<16xi32>,
      tpu.vector_store %arg5[%swap3A_28, %swap3A_29], %sub3A {strides = array<i32>} : memref<1x128xi32, #tpu.memory_space<vmem>>, vector<16xi32>,
      %broadcast_in_dim3A_31 = arith.constant 0 : i32
      %broadcast_in_dim3A_32 = vector.broadcast %broadcast_in_dim3A_31 : i32 to vector<16xi32>
      %swap3A_33 = arith.constant 0 : i32
      %swap3A_34 = arith.index_cast %swap3A_33 : i32 to index
      %swap3A_35 = arith.constant 32 : index
      %swap3A_36 = tpu.vector_load %arg5[%swap3A_34, %swap3A_35] {strides = array<i32>} : memref<1x128xi32, #tpu.memory_space<vmem>>, vector<16xi32>,
      tpu.vector_store %arg5[%swap3A_34, %swap3A_35], %broadcast_in_dim3A_32 {strides = array<i32>} : memref<1x128xi32, #tpu.memory_space<vmem>>, vector<16xi32>,
      %broadcast_in_dim3A_37 = arith.constant 0 : i32
      %broadcast_in_dim3A_38 = vector.broadcast %broadcast_in_dim3A_37 : i32 to vector<16xi32>
      %swap3A_39 = arith.constant 0 : i32
      %swap3A_40 = arith.index_cast %swap3A_39 : i32 to index
      %swap3A_41 = arith.constant 48 : index
      %swap3A_42 = tpu.vector_load %arg5[%swap3A_40, %swap3A_41] {strides = array<i32>} : memref<1x128xi32, #tpu.memory_space<vmem>>, vector<16xi32>,
      tpu.vector_store %arg5[%swap3A_40, %swap3A_41], %broadcast_in_dim3A_38 {strides = array<i32>} : memref<1x128xi32, #tpu.memory_space<vmem>>, vector<16xi32>,
      %broadcast_in_dim3A_43 = arith.constant 0 : i32
      %broadcast_in_dim3A_44 = vector.broadcast %broadcast_in_dim3A_43 : i32 to vector<16xi32>
      %swap3A_45 = arith.constant 0 : i32
      %swap3A_46 = arith.index_cast %swap3A_45 : i32 to index
      %swap3A_47 = arith.constant 64 : index
      %swap3A_48 = tpu.vector_load %arg5[%swap3A_46, %swap3A_47] {strides = array<i32>} : memref<1x128xi32, #tpu.memory_space<vmem>>, vector<16xi32>,
      tpu.vector_store %arg5[%swap3A_46, %swap3A_47], %broadcast_in_dim3A_44 {strides = array<i32>} : memref<1x128xi32, #tpu.memory_space<vmem>>, vector<16xi32>,
      %broadcast_in_dim3A_49 = arith.constant 0 : i32
      %broadcast_in_dim3A_50 = vector.broadcast %broadcast_in_dim3A_49 : i32 to vector<16xi32>
      %swap3A_51 = arith.constant 0 : i32
      %swap3A_52 = arith.index_cast %swap3A_51 : i32 to index
      %swap3A_53 = arith.constant 80 : index
      %swap3A_54 = tpu.vector_load %arg5[%swap3A_52, %swap3A_53] {strides = array<i32>} : memref<1x128xi32, #tpu.memory_space<vmem>>, vector<16xi32>,
      tpu.vector_store %arg5[%swap3A_52, %swap3A_53], %broadcast_in_dim3A_50 {strides = array<i32>} : memref<1x128xi32, #tpu.memory_space<vmem>>, vector<16xi32>,
      %broadcast_in_dim3A_55 = arith.constant 0 : i32
      %broadcast_in_dim3A_56 = vector.broadcast %broadcast_in_dim3A_55 : i32 to vector<16xi32>
      %swap3A_57 = arith.constant 0 : i32
      %swap3A_58 = arith.index_cast %swap3A_57 : i32 to index
      %swap3A_59 = arith.constant 96 : index
      %swap3A_60 = tpu.vector_load %arg5[%swap3A_58, %swap3A_59] {strides = array<i32>} : memref<1x128xi32, #tpu.memory_space<vmem>>, vector<16xi32>,
      tpu.vector_store %arg5[%swap3A_58, %swap3A_59], %broadcast_in_dim3A_56 {strides = array<i32>} : memref<1x128xi32, #tpu.memory_space<vmem>>, vector<16xi32>,
      %broadcast_in_dim3A_61 = arith.constant 0 : i32
      %broadcast_in_dim3A_62 = vector.broadcast %broadcast_in_dim3A_61 : i32 to vector<16xi32>
      %swap3A_63 = arith.constant 0 : i32
      %swap3A_64 = arith.index_cast %swap3A_63 : i32 to index
      %swap3A_65 = arith.constant 112 : index
      %swap3A_66 = tpu.vector_load %arg5[%swap3A_64, %swap3A_65] {strides = array<i32>} : memref<1x128xi32, #tpu.memory_space<vmem>>, vector<16xi32>,
      tpu.vector_store %arg5[%swap3A_64, %swap3A_65], %broadcast_in_dim3A_62 {strides = array<i32>} : memref<1x128xi32, #tpu.memory_space<vmem>>, vector<16xi32>,
      "tpu.region"() ({
        %run_scoped3A = tpu.sem_alloc : memref<!tpu.dma_semaphore, #tpu.memory_space<semaphore_mem>>
        tpu.enqueue_dma source(%arg5 : memref<1x128xi32, #tpu.memory_space<vmem>>) target(%arg3 : memref<1x128xi32, #tpu.memory_space<hbm>>) target_semaphore(%run_scoped3A : memref<!tpu.dma_semaphore, #tpu.memory_space<semaphore_mem>>)
        tpu.wait_dma2 semaphore(%run_scoped3A : memref<!tpu.dma_semaphore, #tpu.memory_space<semaphore_mem>>) src(%arg5 : memref<1x128xi32, #tpu.memory_space<vmem>>) dst(%arg3 : memref<1x128xi32, #tpu.memory_space<hbm>>)
        tpu.yield
      }) : () -> ()
    } else {
    }
    return
  }
}

module attributes {stable_mosaic.version = 14 : i64} {
  func.func @_fused_body(%arg0: i32, %arg1: memref<1x128xi32, #tpu.memory_space<smem>>, %arg2: memref<9x17024xf32, #tpu.memory_space<vmem>>, %arg3: memref<9x512xf32, #tpu.memory_space<vmem>>, %arg4: memref<1x512xf32, #tpu.memory_space<vmem>>, %arg5: memref<512x512xf32, #tpu.memory_space<vmem>>, %arg6: memref<1x512xf32, #tpu.memory_space<vmem>>, %arg7: memref<1x2048x512xf32, #tpu.memory_space<vmem>>) attributes {dimension_semantics = [#tpu.dimension_semantics<parallel>], iteration_bounds = array<i64: 16>, scalar_prefetch = 0 : i64, scratch_operands = 0 : i64, tpu.core_type = #tpu.core_type<tc>, window_params = [{transform_indices = @transform_0, window_bounds = array<i64: 1, 128>}, {pipeline_mode = #tpu.pipeline_mode<synchronous>, transform_indices = @transform_1, window_bounds = array<i64: 9, 17024>}, {pipeline_mode = #tpu.pipeline_mode<synchronous>, transform_indices = @transform_2, window_bounds = array<i64: 9, 512>}, {pipeline_mode = #tpu.pipeline_mode<synchronous>, transform_indices = @transform_3, window_bounds = array<i64: 1, 512>}, {pipeline_mode = #tpu.pipeline_mode<synchronous>, transform_indices = @transform_4, window_bounds = array<i64: 512, 512>}, {pipeline_mode = #tpu.pipeline_mode<synchronous>, transform_indices = @transform_5, window_bounds = array<i64: 1, 512>}, {transform_indices = @transform_6, window_bounds = array<i64: 1, 2048, 512>}]} {
    %get3A = arith.constant 0 : index
    %get3A_0 = arith.index_cast %arg0 : i32 to index
    %get3A_1 = memref.load %arg1[%get3A, %get3A_0] : memref<1x128xi32, #tpu.memory_space<smem>>
    %add3A = arith.constant 16 : i32
    %add3A_2 = arith.addi %add3A, %arg0 : i32
    %get3A_3 = arith.constant 0 : index
    %get3A_4 = arith.index_cast %add3A_2 : i32 to index
    %get3A_5 = memref.load %arg1[%get3A_3, %get3A_4] : memref<1x128xi32, #tpu.memory_space<smem>>
    %le3A = arith.constant 0 : i32
    %le3A_6 = arith.cmpi sle, %get3A_5, %le3A : i32
    %convert_element_type3A = arith.extui %le3A_6 : i1 to i32
    %cond3A = arith.constant 0 : i32
    %cond3A_7 = arith.cmpi ne, %convert_element_type3A, %cond3A : i32
    scf.if %cond3A_7 {
      %broadcast_in_dim3A = arith.constant 0.000000e+00 : f32
      %broadcast_in_dim3A_42 = vector.broadcast %broadcast_in_dim3A : f32 to vector<512x512xf32>
      %swap3A = arith.constant 0 : index
      %swap3A_43 = arith.constant 0 : index
      %swap3A_44 = arith.constant 0 : index
      %swap3A_45 = vector.load %arg7[%swap3A, %swap3A_43, %swap3A_44] : memref<1x2048x512xf32, #tpu.memory_space<vmem>>, vector<1x512x512xf32>
      %swap3A_46 = vector.shape_cast %swap3A_45 : vector<1x512x512xf32> to vector<512x512xf32>
      %swap3A_47 = vector.shape_cast %broadcast_in_dim3A_42 : vector<512x512xf32> to vector<1x512x512xf32>
      tpu.vector_store %arg7[%swap3A, %swap3A_43, %swap3A_44], %swap3A_47 {strides = array<i32>} : memref<1x2048x512xf32, #tpu.memory_space<vmem>>, vector<1x512x512xf32>,
    } else {
    }
    %gt3A = arith.constant 0 : i32
    %gt3A_8 = arith.cmpi sgt, %get3A_5, %gt3A : i32
    %convert_element_type3A_9 = arith.extui %gt3A_8 : i1 to i32
    %cond3A_10 = arith.constant 0 : i32
    %cond3A_11 = arith.cmpi ne, %convert_element_type3A_9, %cond3A_10 : i32
    scf.if %cond3A_11 {
      %add3A_42 = arith.constant 0 : i32
      %add3A_43 = arith.addi %get3A_1, %add3A_42 : i32
      %jit3A = arith.constant 128 : i32
      %div3A = arith.divsi %add3A_43, %jit3A : i32
      %sign3A = arith.constant 0 : i32
      %sign3A_44 = arith.cmpi sgt, %add3A_43, %sign3A : i32
      %sign3A_45 = arith.extui %sign3A_44 : i1 to i32
      %sign3A_46 = arith.constant 0 : i32
      %sign3A_47 = arith.cmpi slt, %add3A_43, %sign3A_46 : i32
      %sign3A_48 = arith.extui %sign3A_47 : i1 to i32
      %sign3A_49 = arith.subi %sign3A_45, %sign3A_48 : i32
      %sign3A_50 = arith.constant 0 : i32
      %sign3A_51 = arith.cmpi sgt, %jit3A, %sign3A_50 : i32
      %sign3A_52 = arith.extui %sign3A_51 : i1 to i32
      %sign3A_53 = arith.constant 0 : i32
      %sign3A_54 = arith.cmpi slt, %jit3A, %sign3A_53 : i32
      %sign3A_55 = arith.extui %sign3A_54 : i1 to i32
      %sign3A_56 = arith.subi %sign3A_52, %sign3A_55 : i32
      %ne3A = arith.cmpi ne, %sign3A_49, %sign3A_56 : i32
      %rem3A = arith.remsi %add3A_43, %jit3A : i32
      %ne3A_57 = arith.constant 0 : i32
      %ne3A_58 = arith.cmpi ne, %rem3A, %ne3A_57 : i32
      %and3A = arith.andi %ne3A, %ne3A_58 : i1
      %sub3A = arith.constant 1 : i32
      %sub3A_59 = arith.subi %div3A, %sub3A : i32
      %select_n3A = arith.select %and3A, %sub3A_59, %div3A : i32
      %mul3A = arith.constant 128 : i32
      %mul3A_60 = arith.muli %select_n3A, %mul3A : i32
      %sub3A_61 = arith.subi %add3A_43, %mul3A_60 : i32
      %get3A_62 = arith.constant 0 : index
      %get3A_63 = arith.index_cast %mul3A_60 : i32 to index
      %get3A_64 = vector.load %arg2[%get3A_62, %get3A_63] : memref<9x17024xf32, #tpu.memory_space<vmem>>, vector<9x640xf32>
      %sub3A_65 = arith.constant 640 : i32
      %sub3A_66 = arith.subi %sub3A_65, %sub3A_61 : i32
      %roll3A = tpu.dynamic_rotate %get3A_64 by %sub3A_66 dim 1 : vector<9x640xf32>, i32 -> vector<9x640xf32>
      %slice3A = vector.extract_strided_slice %roll3A {offsets = [0, 0], sizes = [9, 512], strides = [1, 1]} : vector<9x640xf32> to vector<9x512xf32>
      %get3A_67 = arith.constant 0 : index
      %get3A_68 = arith.constant 0 : index
      %get3A_69 = vector.load %arg3[%get3A_67, %get3A_68] : memref<9x512xf32, #tpu.memory_space<vmem>>, vector<9x512xf32>
      %dot_general3A = arith.constant dense<0.000000e+00> : vector<512x512xf32>
      %dot_general3A_70 = tpu.matmul %slice3A, %get3A_69, %dot_general3A {dimension_numbers = #tpu.dot_dimension_numbers<[0], [0], [1], [1], [0, 1, 1, 1], [], []>, transpose_lhs_hint = false} : vector<9x512xf32>, vector<9x512xf32>, vector<512x512xf32> -> vector<512x512xf32>
      %get3A_71 = arith.constant 0 : index
      %get3A_72 = arith.constant 0 : index
      %get3A_73 = vector.load %arg4[%get3A_71, %get3A_72] : memref<1x512xf32, #tpu.memory_space<vmem>>, vector<1x512xf32>
      %add3A_74 = vector.broadcast %get3A_73 : vector<1x512xf32> to vector<512x512xf32>
      %add3A_75 = arith.addf %dot_general3A_70, %add3A_74 : vector<512x512xf32>
      %max3A = arith.constant 0.000000e+00 : f32
      %max3A_76 = vector.broadcast %max3A : f32 to vector<512x512xf32>
      %max3A_77 = arith.maximumf %add3A_75, %max3A_76 : vector<512x512xf32>
      %get3A_78 = arith.constant 0 : index
      %get3A_79 = arith.constant 0 : index
      %get3A_80 = vector.load %arg5[%get3A_78, %get3A_79] : memref<512x512xf32, #tpu.memory_space<vmem>>, vector<512x512xf32>
      %dot_general3A_81 = arith.constant dense<0.000000e+00> : vector<512x512xf32>
      %dot_general3A_82 = tpu.matmul %max3A_77, %get3A_80, %dot_general3A_81 {dimension_numbers = #tpu.dot_dimension_numbers<[1], [0], [0], [1], [0, 0, 1, 1], [], []>, transpose_lhs_hint = false} : vector<512x512xf32>, vector<512x512xf32>, vector<512x512xf32> -> vector<512x512xf32>
      %get3A_83 = arith.constant 0 : index
      %get3A_84 = arith.constant 0 : index
      %get3A_85 = vector.load %arg6[%get3A_83, %get3A_84] : memref<1x512xf32, #tpu.memory_space<vmem>>, vector<1x512xf32>
      %add3A_86 = vector.broadcast %get3A_85 : vector<1x512xf32> to vector<512x512xf32>
      %add3A_87 = arith.addf %dot_general3A_82, %add3A_86 : vector<512x512xf32>
      %iota3A = tpu.iota {dimensions = array<i32: 0>} : vector<512x512xi32>
      %add3A_88 = arith.constant 0 : i32
      %add3A_89 = vector.broadcast %add3A_88 : i32 to vector<512x512xi32>
      %add3A_90 = arith.addi %add3A_89, %iota3A : vector<512x512xi32>
      %lt3A = vector.broadcast %get3A_5 : i32 to vector<512x512xi32>
      %lt3A_91 = arith.cmpi slt, %add3A_90, %lt3A : vector<512x512xi32>
      %jit3A_92 = arith.constant 0.000000e+00 : f32
      %broadcast_in_dim3A = vector.broadcast %jit3A_92 : f32 to vector<512x512xf32>
      %select_n3A_93 = arith.select %lt3A_91, %add3A_87, %broadcast_in_dim3A : vector<512x512xi1>, vector<512x512xf32>
      %swap3A = arith.constant 0 : index
      %swap3A_94 = arith.constant 0 : index
      %swap3A_95 = arith.constant 0 : index
      %swap3A_96 = vector.load %arg7[%swap3A, %swap3A_94, %swap3A_95] : memref<1x2048x512xf32, #tpu.memory_space<vmem>>, vector<1x512x512xf32>
      %swap3A_97 = vector.shape_cast %swap3A_96 : vector<1x512x512xf32> to vector<512x512xf32>
      %swap3A_98 = vector.shape_cast %select_n3A_93 : vector<512x512xf32> to vector<1x512x512xf32>
      tpu.vector_store %arg7[%swap3A, %swap3A_94, %swap3A_95], %swap3A_98 {strides = array<i32>} : memref<1x2048x512xf32, #tpu.memory_space<vmem>>, vector<1x512x512xf32>,
    } else {
    }
    %le3A_12 = arith.constant 512 : i32
    %le3A_13 = arith.cmpi sle, %get3A_5, %le3A_12 : i32
    %convert_element_type3A_14 = arith.extui %le3A_13 : i1 to i32
    %cond3A_15 = arith.constant 0 : i32
    %cond3A_16 = arith.cmpi ne, %convert_element_type3A_14, %cond3A_15 : i32
    scf.if %cond3A_16 {
      %broadcast_in_dim3A = arith.constant 0.000000e+00 : f32
      %broadcast_in_dim3A_42 = vector.broadcast %broadcast_in_dim3A : f32 to vector<512x512xf32>
      %swap3A = arith.constant 0 : index
      %swap3A_43 = arith.constant 512 : index
      %swap3A_44 = arith.constant 0 : index
      %swap3A_45 = vector.load %arg7[%swap3A, %swap3A_43, %swap3A_44] : memref<1x2048x512xf32, #tpu.memory_space<vmem>>, vector<1x512x512xf32>
      %swap3A_46 = vector.shape_cast %swap3A_45 : vector<1x512x512xf32> to vector<512x512xf32>
      %swap3A_47 = vector.shape_cast %broadcast_in_dim3A_42 : vector<512x512xf32> to vector<1x512x512xf32>
      tpu.vector_store %arg7[%swap3A, %swap3A_43, %swap3A_44], %swap3A_47 {strides = array<i32>} : memref<1x2048x512xf32, #tpu.memory_space<vmem>>, vector<1x512x512xf32>,
    } else {
    }
    %gt3A_17 = arith.constant 512 : i32
    %gt3A_18 = arith.cmpi sgt, %get3A_5, %gt3A_17 : i32
    %convert_element_type3A_19 = arith.extui %gt3A_18 : i1 to i32
    %cond3A_20 = arith.constant 0 : i32
    %cond3A_21 = arith.cmpi ne, %convert_element_type3A_19, %cond3A_20 : i32
    scf.if %cond3A_21 {
      %add3A_42 = arith.constant 512 : i32
      %add3A_43 = arith.addi %get3A_1, %add3A_42 : i32
      %jit3A = arith.constant 128 : i32
      %div3A = arith.divsi %add3A_43, %jit3A : i32
      %sign3A = arith.constant 0 : i32
      %sign3A_44 = arith.cmpi sgt, %add3A_43, %sign3A : i32
      %sign3A_45 = arith.extui %sign3A_44 : i1 to i32
      %sign3A_46 = arith.constant 0 : i32
      %sign3A_47 = arith.cmpi slt, %add3A_43, %sign3A_46 : i32
      %sign3A_48 = arith.extui %sign3A_47 : i1 to i32
      %sign3A_49 = arith.subi %sign3A_45, %sign3A_48 : i32
      %sign3A_50 = arith.constant 0 : i32
      %sign3A_51 = arith.cmpi sgt, %jit3A, %sign3A_50 : i32
      %sign3A_52 = arith.extui %sign3A_51 : i1 to i32
      %sign3A_53 = arith.constant 0 : i32
      %sign3A_54 = arith.cmpi slt, %jit3A, %sign3A_53 : i32
      %sign3A_55 = arith.extui %sign3A_54 : i1 to i32
      %sign3A_56 = arith.subi %sign3A_52, %sign3A_55 : i32
      %ne3A = arith.cmpi ne, %sign3A_49, %sign3A_56 : i32
      %rem3A = arith.remsi %add3A_43, %jit3A : i32
      %ne3A_57 = arith.constant 0 : i32
      %ne3A_58 = arith.cmpi ne, %rem3A, %ne3A_57 : i32
      %and3A = arith.andi %ne3A, %ne3A_58 : i1
      %sub3A = arith.constant 1 : i32
      %sub3A_59 = arith.subi %div3A, %sub3A : i32
      %select_n3A = arith.select %and3A, %sub3A_59, %div3A : i32
      %mul3A = arith.constant 128 : i32
      %mul3A_60 = arith.muli %select_n3A, %mul3A : i32
      %sub3A_61 = arith.subi %add3A_43, %mul3A_60 : i32
      %get3A_62 = arith.constant 0 : index
      %get3A_63 = arith.index_cast %mul3A_60 : i32 to index
      %get3A_64 = vector.load %arg2[%get3A_62, %get3A_63] : memref<9x17024xf32, #tpu.memory_space<vmem>>, vector<9x640xf32>
      %sub3A_65 = arith.constant 640 : i32
      %sub3A_66 = arith.subi %sub3A_65, %sub3A_61 : i32
      %roll3A = tpu.dynamic_rotate %get3A_64 by %sub3A_66 dim 1 : vector<9x640xf32>, i32 -> vector<9x640xf32>
      %slice3A = vector.extract_strided_slice %roll3A {offsets = [0, 0], sizes = [9, 512], strides = [1, 1]} : vector<9x640xf32> to vector<9x512xf32>
      %get3A_67 = arith.constant 0 : index
      %get3A_68 = arith.constant 0 : index
      %get3A_69 = vector.load %arg3[%get3A_67, %get3A_68] : memref<9x512xf32, #tpu.memory_space<vmem>>, vector<9x512xf32>
      %dot_general3A = arith.constant dense<0.000000e+00> : vector<512x512xf32>
      %dot_general3A_70 = tpu.matmul %slice3A, %get3A_69, %dot_general3A {dimension_numbers = #tpu.dot_dimension_numbers<[0], [0], [1], [1], [0, 1, 1, 1], [], []>, transpose_lhs_hint = false} : vector<9x512xf32>, vector<9x512xf32>, vector<512x512xf32> -> vector<512x512xf32>
      %get3A_71 = arith.constant 0 : index
      %get3A_72 = arith.constant 0 : index
      %get3A_73 = vector.load %arg4[%get3A_71, %get3A_72] : memref<1x512xf32, #tpu.memory_space<vmem>>, vector<1x512xf32>
      %add3A_74 = vector.broadcast %get3A_73 : vector<1x512xf32> to vector<512x512xf32>
      %add3A_75 = arith.addf %dot_general3A_70, %add3A_74 : vector<512x512xf32>
      %max3A = arith.constant 0.000000e+00 : f32
      %max3A_76 = vector.broadcast %max3A : f32 to vector<512x512xf32>
      %max3A_77 = arith.maximumf %add3A_75, %max3A_76 : vector<512x512xf32>
      %get3A_78 = arith.constant 0 : index
      %get3A_79 = arith.constant 0 : index
      %get3A_80 = vector.load %arg5[%get3A_78, %get3A_79] : memref<512x512xf32, #tpu.memory_space<vmem>>, vector<512x512xf32>
      %dot_general3A_81 = arith.constant dense<0.000000e+00> : vector<512x512xf32>
      %dot_general3A_82 = tpu.matmul %max3A_77, %get3A_80, %dot_general3A_81 {dimension_numbers = #tpu.dot_dimension_numbers<[1], [0], [0], [1], [0, 0, 1, 1], [], []>, transpose_lhs_hint = false} : vector<512x512xf32>, vector<512x512xf32>, vector<512x512xf32> -> vector<512x512xf32>
      %get3A_83 = arith.constant 0 : index
      %get3A_84 = arith.constant 0 : index
      %get3A_85 = vector.load %arg6[%get3A_83, %get3A_84] : memref<1x512xf32, #tpu.memory_space<vmem>>, vector<1x512xf32>
      %add3A_86 = vector.broadcast %get3A_85 : vector<1x512xf32> to vector<512x512xf32>
      %add3A_87 = arith.addf %dot_general3A_82, %add3A_86 : vector<512x512xf32>
      %iota3A = tpu.iota {dimensions = array<i32: 0>} : vector<512x512xi32>
      %add3A_88 = arith.constant 512 : i32
      %add3A_89 = vector.broadcast %add3A_88 : i32 to vector<512x512xi32>
      %add3A_90 = arith.addi %add3A_89, %iota3A : vector<512x512xi32>
      %lt3A = vector.broadcast %get3A_5 : i32 to vector<512x512xi32>
      %lt3A_91 = arith.cmpi slt, %add3A_90, %lt3A : vector<512x512xi32>
      %jit3A_92 = arith.constant 0.000000e+00 : f32
      %broadcast_in_dim3A = vector.broadcast %jit3A_92 : f32 to vector<512x512xf32>
      %select_n3A_93 = arith.select %lt3A_91, %add3A_87, %broadcast_in_dim3A : vector<512x512xi1>, vector<512x512xf32>
      %swap3A = arith.constant 0 : index
      %swap3A_94 = arith.constant 512 : index
      %swap3A_95 = arith.constant 0 : index
      %swap3A_96 = vector.load %arg7[%swap3A, %swap3A_94, %swap3A_95] : memref<1x2048x512xf32, #tpu.memory_space<vmem>>, vector<1x512x512xf32>
      %swap3A_97 = vector.shape_cast %swap3A_96 : vector<1x512x512xf32> to vector<512x512xf32>
      %swap3A_98 = vector.shape_cast %select_n3A_93 : vector<512x512xf32> to vector<1x512x512xf32>
      tpu.vector_store %arg7[%swap3A, %swap3A_94, %swap3A_95], %swap3A_98 {strides = array<i32>} : memref<1x2048x512xf32, #tpu.memory_space<vmem>>, vector<1x512x512xf32>,
    } else {
    }
    %le3A_22 = arith.constant 1024 : i32
    %le3A_23 = arith.cmpi sle, %get3A_5, %le3A_22 : i32
    %convert_element_type3A_24 = arith.extui %le3A_23 : i1 to i32
    %cond3A_25 = arith.constant 0 : i32
    %cond3A_26 = arith.cmpi ne, %convert_element_type3A_24, %cond3A_25 : i32
    scf.if %cond3A_26 {
      %broadcast_in_dim3A = arith.constant 0.000000e+00 : f32
      %broadcast_in_dim3A_42 = vector.broadcast %broadcast_in_dim3A : f32 to vector<512x512xf32>
      %swap3A = arith.constant 0 : index
      %swap3A_43 = arith.constant 1024 : index
      %swap3A_44 = arith.constant 0 : index
      %swap3A_45 = vector.load %arg7[%swap3A, %swap3A_43, %swap3A_44] : memref<1x2048x512xf32, #tpu.memory_space<vmem>>, vector<1x512x512xf32>
      %swap3A_46 = vector.shape_cast %swap3A_45 : vector<1x512x512xf32> to vector<512x512xf32>
      %swap3A_47 = vector.shape_cast %broadcast_in_dim3A_42 : vector<512x512xf32> to vector<1x512x512xf32>
      tpu.vector_store %arg7[%swap3A, %swap3A_43, %swap3A_44], %swap3A_47 {strides = array<i32>} : memref<1x2048x512xf32, #tpu.memory_space<vmem>>, vector<1x512x512xf32>,
    } else {
    }
    %gt3A_27 = arith.constant 1024 : i32
    %gt3A_28 = arith.cmpi sgt, %get3A_5, %gt3A_27 : i32
    %convert_element_type3A_29 = arith.extui %gt3A_28 : i1 to i32
    %cond3A_30 = arith.constant 0 : i32
    %cond3A_31 = arith.cmpi ne, %convert_element_type3A_29, %cond3A_30 : i32
    scf.if %cond3A_31 {
      %add3A_42 = arith.constant 1024 : i32
      %add3A_43 = arith.addi %get3A_1, %add3A_42 : i32
      %jit3A = arith.constant 128 : i32
      %div3A = arith.divsi %add3A_43, %jit3A : i32
      %sign3A = arith.constant 0 : i32
      %sign3A_44 = arith.cmpi sgt, %add3A_43, %sign3A : i32
      %sign3A_45 = arith.extui %sign3A_44 : i1 to i32
      %sign3A_46 = arith.constant 0 : i32
      %sign3A_47 = arith.cmpi slt, %add3A_43, %sign3A_46 : i32
      %sign3A_48 = arith.extui %sign3A_47 : i1 to i32
      %sign3A_49 = arith.subi %sign3A_45, %sign3A_48 : i32
      %sign3A_50 = arith.constant 0 : i32
      %sign3A_51 = arith.cmpi sgt, %jit3A, %sign3A_50 : i32
      %sign3A_52 = arith.extui %sign3A_51 : i1 to i32
      %sign3A_53 = arith.constant 0 : i32
      %sign3A_54 = arith.cmpi slt, %jit3A, %sign3A_53 : i32
      %sign3A_55 = arith.extui %sign3A_54 : i1 to i32
      %sign3A_56 = arith.subi %sign3A_52, %sign3A_55 : i32
      %ne3A = arith.cmpi ne, %sign3A_49, %sign3A_56 : i32
      %rem3A = arith.remsi %add3A_43, %jit3A : i32
      %ne3A_57 = arith.constant 0 : i32
      %ne3A_58 = arith.cmpi ne, %rem3A, %ne3A_57 : i32
      %and3A = arith.andi %ne3A, %ne3A_58 : i1
      %sub3A = arith.constant 1 : i32
      %sub3A_59 = arith.subi %div3A, %sub3A : i32
      %select_n3A = arith.select %and3A, %sub3A_59, %div3A : i32
      %mul3A = arith.constant 128 : i32
      %mul3A_60 = arith.muli %select_n3A, %mul3A : i32
      %sub3A_61 = arith.subi %add3A_43, %mul3A_60 : i32
      %get3A_62 = arith.constant 0 : index
      %get3A_63 = arith.index_cast %mul3A_60 : i32 to index
      %get3A_64 = vector.load %arg2[%get3A_62, %get3A_63] : memref<9x17024xf32, #tpu.memory_space<vmem>>, vector<9x640xf32>
      %sub3A_65 = arith.constant 640 : i32
      %sub3A_66 = arith.subi %sub3A_65, %sub3A_61 : i32
      %roll3A = tpu.dynamic_rotate %get3A_64 by %sub3A_66 dim 1 : vector<9x640xf32>, i32 -> vector<9x640xf32>
      %slice3A = vector.extract_strided_slice %roll3A {offsets = [0, 0], sizes = [9, 512], strides = [1, 1]} : vector<9x640xf32> to vector<9x512xf32>
      %get3A_67 = arith.constant 0 : index
      %get3A_68 = arith.constant 0 : index
      %get3A_69 = vector.load %arg3[%get3A_67, %get3A_68] : memref<9x512xf32, #tpu.memory_space<vmem>>, vector<9x512xf32>
      %dot_general3A = arith.constant dense<0.000000e+00> : vector<512x512xf32>
      %dot_general3A_70 = tpu.matmul %slice3A, %get3A_69, %dot_general3A {dimension_numbers = #tpu.dot_dimension_numbers<[0], [0], [1], [1], [0, 1, 1, 1], [], []>, transpose_lhs_hint = false} : vector<9x512xf32>, vector<9x512xf32>, vector<512x512xf32> -> vector<512x512xf32>
      %get3A_71 = arith.constant 0 : index
      %get3A_72 = arith.constant 0 : index
      %get3A_73 = vector.load %arg4[%get3A_71, %get3A_72] : memref<1x512xf32, #tpu.memory_space<vmem>>, vector<1x512xf32>
      %add3A_74 = vector.broadcast %get3A_73 : vector<1x512xf32> to vector<512x512xf32>
      %add3A_75 = arith.addf %dot_general3A_70, %add3A_74 : vector<512x512xf32>
      %max3A = arith.constant 0.000000e+00 : f32
      %max3A_76 = vector.broadcast %max3A : f32 to vector<512x512xf32>
      %max3A_77 = arith.maximumf %add3A_75, %max3A_76 : vector<512x512xf32>
      %get3A_78 = arith.constant 0 : index
      %get3A_79 = arith.constant 0 : index
      %get3A_80 = vector.load %arg5[%get3A_78, %get3A_79] : memref<512x512xf32, #tpu.memory_space<vmem>>, vector<512x512xf32>
      %dot_general3A_81 = arith.constant dense<0.000000e+00> : vector<512x512xf32>
      %dot_general3A_82 = tpu.matmul %max3A_77, %get3A_80, %dot_general3A_81 {dimension_numbers = #tpu.dot_dimension_numbers<[1], [0], [0], [1], [0, 0, 1, 1], [], []>, transpose_lhs_hint = false} : vector<512x512xf32>, vector<512x512xf32>, vector<512x512xf32> -> vector<512x512xf32>
      %get3A_83 = arith.constant 0 : index
      %get3A_84 = arith.constant 0 : index
      %get3A_85 = vector.load %arg6[%get3A_83, %get3A_84] : memref<1x512xf32, #tpu.memory_space<vmem>>, vector<1x512xf32>
      %add3A_86 = vector.broadcast %get3A_85 : vector<1x512xf32> to vector<512x512xf32>
      %add3A_87 = arith.addf %dot_general3A_82, %add3A_86 : vector<512x512xf32>
      %iota3A = tpu.iota {dimensions = array<i32: 0>} : vector<512x512xi32>
      %add3A_88 = arith.constant 1024 : i32
      %add3A_89 = vector.broadcast %add3A_88 : i32 to vector<512x512xi32>
      %add3A_90 = arith.addi %add3A_89, %iota3A : vector<512x512xi32>
      %lt3A = vector.broadcast %get3A_5 : i32 to vector<512x512xi32>
      %lt3A_91 = arith.cmpi slt, %add3A_90, %lt3A : vector<512x512xi32>
      %jit3A_92 = arith.constant 0.000000e+00 : f32
      %broadcast_in_dim3A = vector.broadcast %jit3A_92 : f32 to vector<512x512xf32>
      %select_n3A_93 = arith.select %lt3A_91, %add3A_87, %broadcast_in_dim3A : vector<512x512xi1>, vector<512x512xf32>
      %swap3A = arith.constant 0 : index
      %swap3A_94 = arith.constant 1024 : index
      %swap3A_95 = arith.constant 0 : index
      %swap3A_96 = vector.load %arg7[%swap3A, %swap3A_94, %swap3A_95] : memref<1x2048x512xf32, #tpu.memory_space<vmem>>, vector<1x512x512xf32>
      %swap3A_97 = vector.shape_cast %swap3A_96 : vector<1x512x512xf32> to vector<512x512xf32>
      %swap3A_98 = vector.shape_cast %select_n3A_93 : vector<512x512xf32> to vector<1x512x512xf32>
      tpu.vector_store %arg7[%swap3A, %swap3A_94, %swap3A_95], %swap3A_98 {strides = array<i32>} : memref<1x2048x512xf32, #tpu.memory_space<vmem>>, vector<1x512x512xf32>,
    } else {
    }
    %le3A_32 = arith.constant 1536 : i32
    %le3A_33 = arith.cmpi sle, %get3A_5, %le3A_32 : i32
    %convert_element_type3A_34 = arith.extui %le3A_33 : i1 to i32
    %cond3A_35 = arith.constant 0 : i32
    %cond3A_36 = arith.cmpi ne, %convert_element_type3A_34, %cond3A_35 : i32
    scf.if %cond3A_36 {
      %broadcast_in_dim3A = arith.constant 0.000000e+00 : f32
      %broadcast_in_dim3A_42 = vector.broadcast %broadcast_in_dim3A : f32 to vector<512x512xf32>
      %swap3A = arith.constant 0 : index
      %swap3A_43 = arith.constant 1536 : index
      %swap3A_44 = arith.constant 0 : index
      %swap3A_45 = vector.load %arg7[%swap3A, %swap3A_43, %swap3A_44] : memref<1x2048x512xf32, #tpu.memory_space<vmem>>, vector<1x512x512xf32>
      %swap3A_46 = vector.shape_cast %swap3A_45 : vector<1x512x512xf32> to vector<512x512xf32>
      %swap3A_47 = vector.shape_cast %broadcast_in_dim3A_42 : vector<512x512xf32> to vector<1x512x512xf32>
      tpu.vector_store %arg7[%swap3A, %swap3A_43, %swap3A_44], %swap3A_47 {strides = array<i32>} : memref<1x2048x512xf32, #tpu.memory_space<vmem>>, vector<1x512x512xf32>,
    } else {
    }
    %gt3A_37 = arith.constant 1536 : i32
    %gt3A_38 = arith.cmpi sgt, %get3A_5, %gt3A_37 : i32
    %convert_element_type3A_39 = arith.extui %gt3A_38 : i1 to i32
    %cond3A_40 = arith.constant 0 : i32
    %cond3A_41 = arith.cmpi ne, %convert_element_type3A_39, %cond3A_40 : i32
    scf.if %cond3A_41 {
      %add3A_42 = arith.constant 1536 : i32
      %add3A_43 = arith.addi %get3A_1, %add3A_42 : i32
      %jit3A = arith.constant 128 : i32
      %div3A = arith.divsi %add3A_43, %jit3A : i32
      %sign3A = arith.constant 0 : i32
      %sign3A_44 = arith.cmpi sgt, %add3A_43, %sign3A : i32
      %sign3A_45 = arith.extui %sign3A_44 : i1 to i32
      %sign3A_46 = arith.constant 0 : i32
      %sign3A_47 = arith.cmpi slt, %add3A_43, %sign3A_46 : i32
      %sign3A_48 = arith.extui %sign3A_47 : i1 to i32
      %sign3A_49 = arith.subi %sign3A_45, %sign3A_48 : i32
      %sign3A_50 = arith.constant 0 : i32
      %sign3A_51 = arith.cmpi sgt, %jit3A, %sign3A_50 : i32
      %sign3A_52 = arith.extui %sign3A_51 : i1 to i32
      %sign3A_53 = arith.constant 0 : i32
      %sign3A_54 = arith.cmpi slt, %jit3A, %sign3A_53 : i32
      %sign3A_55 = arith.extui %sign3A_54 : i1 to i32
      %sign3A_56 = arith.subi %sign3A_52, %sign3A_55 : i32
      %ne3A = arith.cmpi ne, %sign3A_49, %sign3A_56 : i32
      %rem3A = arith.remsi %add3A_43, %jit3A : i32
      %ne3A_57 = arith.constant 0 : i32
      %ne3A_58 = arith.cmpi ne, %rem3A, %ne3A_57 : i32
      %and3A = arith.andi %ne3A, %ne3A_58 : i1
      %sub3A = arith.constant 1 : i32
      %sub3A_59 = arith.subi %div3A, %sub3A : i32
      %select_n3A = arith.select %and3A, %sub3A_59, %div3A : i32
      %mul3A = arith.constant 128 : i32
      %mul3A_60 = arith.muli %select_n3A, %mul3A : i32
      %sub3A_61 = arith.subi %add3A_43, %mul3A_60 : i32
      %get3A_62 = arith.constant 0 : index
      %get3A_63 = arith.index_cast %mul3A_60 : i32 to index
      %get3A_64 = vector.load %arg2[%get3A_62, %get3A_63] : memref<9x17024xf32, #tpu.memory_space<vmem>>, vector<9x640xf32>
      %sub3A_65 = arith.constant 640 : i32
      %sub3A_66 = arith.subi %sub3A_65, %sub3A_61 : i32
      %roll3A = tpu.dynamic_rotate %get3A_64 by %sub3A_66 dim 1 : vector<9x640xf32>, i32 -> vector<9x640xf32>
      %slice3A = vector.extract_strided_slice %roll3A {offsets = [0, 0], sizes = [9, 512], strides = [1, 1]} : vector<9x640xf32> to vector<9x512xf32>
      %get3A_67 = arith.constant 0 : index
      %get3A_68 = arith.constant 0 : index
      %get3A_69 = vector.load %arg3[%get3A_67, %get3A_68] : memref<9x512xf32, #tpu.memory_space<vmem>>, vector<9x512xf32>
      %dot_general3A = arith.constant dense<0.000000e+00> : vector<512x512xf32>
      %dot_general3A_70 = tpu.matmul %slice3A, %get3A_69, %dot_general3A {dimension_numbers = #tpu.dot_dimension_numbers<[0], [0], [1], [1], [0, 1, 1, 1], [], []>, transpose_lhs_hint = false} : vector<9x512xf32>, vector<9x512xf32>, vector<512x512xf32> -> vector<512x512xf32>
      %get3A_71 = arith.constant 0 : index
      %get3A_72 = arith.constant 0 : index
      %get3A_73 = vector.load %arg4[%get3A_71, %get3A_72] : memref<1x512xf32, #tpu.memory_space<vmem>>, vector<1x512xf32>
      %add3A_74 = vector.broadcast %get3A_73 : vector<1x512xf32> to vector<512x512xf32>
      %add3A_75 = arith.addf %dot_general3A_70, %add3A_74 : vector<512x512xf32>
      %max3A = arith.constant 0.000000e+00 : f32
      %max3A_76 = vector.broadcast %max3A : f32 to vector<512x512xf32>
      %max3A_77 = arith.maximumf %add3A_75, %max3A_76 : vector<512x512xf32>
      %get3A_78 = arith.constant 0 : index
      %get3A_79 = arith.constant 0 : index
      %get3A_80 = vector.load %arg5[%get3A_78, %get3A_79] : memref<512x512xf32, #tpu.memory_space<vmem>>, vector<512x512xf32>
      %dot_general3A_81 = arith.constant dense<0.000000e+00> : vector<512x512xf32>
      %dot_general3A_82 = tpu.matmul %max3A_77, %get3A_80, %dot_general3A_81 {dimension_numbers = #tpu.dot_dimension_numbers<[1], [0], [0], [1], [0, 0, 1, 1], [], []>, transpose_lhs_hint = false} : vector<512x512xf32>, vector<512x512xf32>, vector<512x512xf32> -> vector<512x512xf32>
      %get3A_83 = arith.constant 0 : index
      %get3A_84 = arith.constant 0 : index
      %get3A_85 = vector.load %arg6[%get3A_83, %get3A_84] : memref<1x512xf32, #tpu.memory_space<vmem>>, vector<1x512xf32>
      %add3A_86 = vector.broadcast %get3A_85 : vector<1x512xf32> to vector<512x512xf32>
      %add3A_87 = arith.addf %dot_general3A_82, %add3A_86 : vector<512x512xf32>
      %iota3A = tpu.iota {dimensions = array<i32: 0>} : vector<512x512xi32>
      %add3A_88 = arith.constant 1536 : i32
      %add3A_89 = vector.broadcast %add3A_88 : i32 to vector<512x512xi32>
      %add3A_90 = arith.addi %add3A_89, %iota3A : vector<512x512xi32>
      %lt3A = vector.broadcast %get3A_5 : i32 to vector<512x512xi32>
      %lt3A_91 = arith.cmpi slt, %add3A_90, %lt3A : vector<512x512xi32>
      %jit3A_92 = arith.constant 0.000000e+00 : f32
      %broadcast_in_dim3A = vector.broadcast %jit3A_92 : f32 to vector<512x512xf32>
      %select_n3A_93 = arith.select %lt3A_91, %add3A_87, %broadcast_in_dim3A : vector<512x512xi1>, vector<512x512xf32>
      %swap3A = arith.constant 0 : index
      %swap3A_94 = arith.constant 1536 : index
      %swap3A_95 = arith.constant 0 : index
      %swap3A_96 = vector.load %arg7[%swap3A, %swap3A_94, %swap3A_95] : memref<1x2048x512xf32, #tpu.memory_space<vmem>>, vector<1x512x512xf32>
      %swap3A_97 = vector.shape_cast %swap3A_96 : vector<1x512x512xf32> to vector<512x512xf32>
      %swap3A_98 = vector.shape_cast %select_n3A_93 : vector<512x512xf32> to vector<1x512x512xf32>
      tpu.vector_store %arg7[%swap3A, %swap3A_94, %swap3A_95], %swap3A_98 {strides = array<i32>} : memref<1x2048x512xf32, #tpu.memory_space<vmem>>, vector<1x512x512xf32>,
    } else {
    }
    return
  }
  func.func @transform_0(%arg0: i32) -> (i32, i32) {
    %c0_i32 = arith.constant 0 : i32
    %c0_i32_0 = arith.constant 0 : i32
    %c0_i32_1 = arith.constant 0 : i32
    return %c0_i32, %c0_i32_0 : i32, i32
  }
  func.func @transform_1(%arg0: i32) -> (i32, i32) {
    %c0_i32 = arith.constant 0 : i32
    %c0_i32_0 = arith.constant 0 : i32
    %c0_i32_1 = arith.constant 0 : i32
    return %c0_i32, %c0_i32_0 : i32, i32
  }
  func.func @transform_2(%arg0: i32) -> (i32, i32) {
    %c0_i32 = arith.constant 0 : i32
    %c0_i32_0 = arith.constant 0 : i32
    %c0_i32_1 = arith.constant 0 : i32
    return %c0_i32, %c0_i32_0 : i32, i32
  }
  func.func @transform_3(%arg0: i32) -> (i32, i32) {
    %c0_i32 = arith.constant 0 : i32
    %c0_i32_0 = arith.constant 0 : i32
    %c0_i32_1 = arith.constant 0 : i32
    return %c0_i32, %c0_i32_0 : i32, i32
  }
  func.func @transform_4(%arg0: i32) -> (i32, i32) {
    %c0_i32 = arith.constant 0 : i32
    %c0_i32_0 = arith.constant 0 : i32
    %c0_i32_1 = arith.constant 0 : i32
    return %c0_i32, %c0_i32_0 : i32, i32
  }
  func.func @transform_5(%arg0: i32) -> (i32, i32) {
    %c0_i32 = arith.constant 0 : i32
    %c0_i32_0 = arith.constant 0 : i32
    %c0_i32_1 = arith.constant 0 : i32
    return %c0_i32, %c0_i32_0 : i32, i32
  }
  func.func @transform_6(%arg0: i32) -> (i32, i32, i32) {
    %c0_i32 = arith.constant 0 : i32
    %c0_i32_0 = arith.constant 0 : i32
    %c0_i32_1 = arith.constant 0 : i32
    return %arg0, %c0_i32, %c0_i32_0 : i32, i32, i32
  }
}

</mosaic_0001>

<sc_bundles>
// kernel: kernel.4.cloned.1.call-start
scs
__scs_entry_jumppad:
0x0: {  	(pc) =	sbr.rel $0x88, $3  }
0x1: {  	(tag) =	ssettag $0x0;
	lr =	simm.s32 $0x1  }
0x2: {  	[smem:$0x3F9B] =	sst lr;
	_ =	strace $0xD0000000  }
0x3: {  	_ = 	snop  }
0x4: {  	_ = 	snop  }
0x5: {  	_ = 	snop  }
0x6: {  	_ = 	snop  }
0x7: {  	_ = 	snop  }
__scs_overlays_trampoline_lowered:
0x8: {  	[smem:$0x3FAA] =	sst s0  }
0x9: {  	[smem:$0x3FAB] =	sst s1  }
0xa: {  	[smem:$0x3FAC] =	sst s2  }
0xb: {  	[smem:$0x3FAD] =	sst s3  }
0xc: {  	[smem:$0x3FAE] =	sst s4  }
0xd: {  	[smem:$0x3FAF] =	sst s5  }
0xe: {  	[smem:$0x3FB0] =	sst s6  }
0xf: {  	[smem:$0x3FB1] =	sst s7  }
0x10: {  	[smem:$0x3FB2] =	sst s8  }
0x11: {  	[smem:$0x3FB3] =	sst s9;
	s0 =	simm.s32 @!p0 $0x0  }
0x12: {  	s1 =	sld [smem:$0x3F99];
	s0 =	simm.s32 @p0 $0x1  }
0x13: {  	[smem:$0x3FB4] =	sst s0;
	s0 =	simm.s32 @!p1 $0x0  }
0x14: {  	s2 =	sld [smem:$0x3F98];
	s0 =	simm.s32 @p1 $0x1  }
0x15: {  	[smem:$0x3FB5] =	sst s0;
	s0 =	simm.s32 @!p2 $0x0  }
0x16: {  	s3 =	sld [smem:$0x3FDB];
	s0 =	simm.s32 @p2 $0x1  }
0x17: {  	s4 =	simm.s32 $0x1BF5;
	[smem:$0x3FB7] =	sst s0  }
0x18: {  	s0 =	sld [smem:$0x3F9A];
	_ =	swait.ge [sflag:s4], $0x0  }
0x19: {  	s7 =	sld [smem:$0x3F9B]  }
0x1a: {  	s8 =	sadd.s32 $0xFFFFE003, lr  }
0x1b: {  	s9 =	sadd.s32 $0xFFFFFEF7, lr;
	s5 =	simm.s32 $0xFFFFFFFF;
	p2 =	slt.u32 s8, $0xFFFFF086  }
0x1c: {  	p1 =	slt.u32 s9, $0xF7A;
	s5 =	simm.s32 @!p2 $0x0  }
0x1d: {  	s5 =	simm.s32 @p1 $0x1;
	p0 =	seq.s32 s7, s2  }
0x1e: {  	s7 =	smul.u32 @!p0 $0xF7A, s2;
	p2 =	seq.s32 @!p0 s5, $0x0  }
0x1f: {  	s9 =	smul.u32 $0xF7A, s1;
	s8 =	simm.s32 @!p0 $0x1BF5;
	p2 =	por !p2, p0  }
0x20: {  	[sflag:s8] =	ssyncset.s32 @!p0 $0xFFFFF086;
	s6 =	sadd.s32 @!p0 s3, s7;
	s7 =	simm.s32 @!p0 $0x108  }
0x21: {  	s3 =	sadd.s32 s3, s9;
	s6 =	sadd.s32 @!p0 $0x88, s6;
	s7 =	simm.s32 @p2 $0x1082  }
0x22: {  	[simem:s7], [sflag:s8] =	dma.local @!p0 [hbm:s6], $0xF7A  }
0x23: {  	s9 =	sor.u32 $0xD0000000, s2;
	s6 =	simm.s32 $0x108;
	_ =	swait.ge @!p0 [sflag:s8], $0x0  }
0x24: {  	s3 =	sadd.s32 $0x88, s3;
	s6 =	simm.s32 @!p1 $0x1082;
	[sflag:s4] =	ssyncset.s32 $0xFFFFF086  }
0x25: {  	[simem:s6], [sflag:s4] =	dma.local [hbm:s3], $0xF7A  }
0x26: {  	[smem:$0x3F9B] =	sst s1;
	(tag) =	ssettag s2;
	_ =	strace s9  }
0x27: {  	s1 =	sld [smem:$0x3FAB]  }
0x28: {  	s2 =	sld [smem:$0x3FAC]  }
0x29: {  	s4 =	sld [smem:$0x3FAE]  }
0x2a: {  	p0 =	seq.s32 s5, $0x0;
	s5 =	sld [smem:$0x3FAF]  }
0x2b: {  	s6 =	sld [smem:$0x3FB0]  }
0x2c: {  	s7 =	sld [smem:$0x3FB1]  }
0x2d: {  	s3 =	simm.s32 $0x108;
	s8 =	sld [smem:$0x3FB2]  }
0x2e: {  	s3 =	simm.s32 @!p0 $0x1082;
	s9 =	sld [smem:$0x3FB3]  }
0x2f: {  	lr =	sadd.s32 s0, s3;
	s0 =	sld [smem:$0x3FAA]  }
0x30: {  	s3 =	sld [smem:$0x3FAD]  }
0x31: {  	[smem:$0x3FB6] =	sst s10  }
0x32: {  	s10 =	sld [smem:$0x3FB4];
	_ =	sdelay $0x3  }
0x33: {  	p0 =	seq.s32 s10, $0x1;
	s10 =	sld [smem:$0x3FB6];
	_ =	sdelay $0x3  }
0x34: {  	[smem:$0x3FB6] =	sst s10  }
0x35: {  	s10 =	sld [smem:$0x3FB5];
	_ =	sdelay $0x3  }
0x36: {  	p1 =	seq.s32 s10, $0x1;
	s10 =	sld [smem:$0x3FB6];
	_ =	sdelay $0x3  }
0x37: {  	[smem:$0x3FB6] =	sst s10  }
0x38: {  	s10 =	sld [smem:$0x3FB7]  }
0x39: {  	_ = 	snop;
	(pc) =	sbr.ind lr, $3  }
0x3a: {  	_ = 	snop  }
0x3b: {  	_ = 	snop  }
0x3c: {  	p2 =	seq.s32 s10, $0x1;
	s10 =	sld [smem:$0x3FB6]  }
0x3d: {  	_ =	shalt  }
0x3e: {  	_ =	shalt  }
0x3f: {  	_ =	shalt  }
0x40: {  	_ =	shalt  }
0x41: {  	_ =	shalt  }
0x42: {  	_ =	shalt  }
0x43: {  	_ =	shalt  }
0x44: {  	_ =	shalt  }
0x45: {  	_ =	shalt  }
0x46: {  	_ =	shalt  }
0x47: {  	_ =	shalt  }
0x48: {  	_ =	shalt  }
0x49: {  	_ =	shalt  }
0x4a: {  	_ =	shalt  }
0x4b: {  	_ =	shalt  }
0x4c: {  	_ =	shalt  }
0x4d: {  	_ =	shalt  }
0x4e: {  	_ =	shalt  }
0x4f: {  	_ =	shalt  }
0x50: {  	_ =	shalt  }
0x51: {  	_ =	shalt  }
0x52: {  	_ =	shalt  }
0x53: {  	_ =	shalt  }
0x54: {  	_ =	shalt  }
0x55: {  	_ =	shalt  }
0x56: {  	_ =	shalt  }
0x57: {  	_ =	shalt  }
0x58: {  	_ =	shalt  }
0x59: {  	_ =	shalt  }
0x5a: {  	_ =	shalt  }
0x5b: {  	_ =	shalt  }
0x5c: {  	_ =	shalt  }
0x5d: {  	_ =	shalt  }
0x5e: {  	_ =	shalt  }
0x5f: {  	_ =	shalt  }
0x60: {  	_ =	shalt  }
0x61: {  	_ =	shalt  }
0x62: {  	_ =	shalt  }
0x63: {  	_ =	shalt  }
0x64: {  	_ =	shalt  }
0x65: {  	_ =	shalt  }
0x66: {  	_ =	shalt  }
0x67: {  	_ =	shalt  }
0x68: {  	_ =	shalt  }
0x69: {  	_ =	shalt  }
0x6a: {  	_ =	shalt  }
0x6b: {  	_ =	shalt  }
0x6c: {  	_ =	shalt  }
0x6d: {  	_ =	shalt  }
0x6e: {  	_ =	shalt  }
0x6f: {  	_ =	shalt  }
0x70: {  	_ =	shalt  }
0x71: {  	_ =	shalt  }
0x72: {  	_ =	shalt  }
0x73: {  	_ =	shalt  }
0x74: {  	_ =	shalt  }
0x75: {  	_ =	shalt  }
0x76: {  	_ =	shalt  }
0x77: {  	_ =	shalt  }
0x78: {  	_ =	shalt  }
0x79: {  	_ =	shalt  }
0x7a: {  	_ =	shalt  }
0x7b: {  	_ =	shalt  }
0x7c: {  	_ =	shalt  }
0x7d: {  	_ =	shalt  }
0x7e: {  	_ =	shalt  }
0x7f: {  	_ =	shalt  }
0x80: {  	_ =	shalt  }
0x81: {  	_ =	shalt  }
0x82: {  	_ =	shalt  }
0x83: {  	_ =	shalt  }
0x84: {  	_ =	shalt  }
0x85: {  	_ =	shalt  }
0x86: {  	_ =	shalt  }
0x87: {  	_ =	shalt  }
.Lfunc_end0:
.L_simem_size_0:
called_computation_lowered:
.L_overlay_start_0:
0x88: {  	s0 =	sld [smem:$0x3FD9]  }
0x89: {  	s1 =	sld [smem:$0x3FFE];
	_ =	sdelay $0x3  }
0x8a: {  	s0 =	sadd.s32 s1, s0  }
0x8b: {  	[smem:$0x3FC2] =	sst s0  }
0x8c: {  	_ = 	snop  }
0x8d: {  	s0 =	sld [smem:$0x3FC8]  }
0x8e: {  	s17 =	sld [smem:$0x3FD0];
	(tm) =	ssettm $0x1  }
0x8f: {  	s2 =	sld [smem:$0x3FFB];
	_ =	sdelay $0x3  }
0x90: {  	_ =	strace s2  }
0x91: {  	s2 =	sld [smem:$0x3FFC];
	_ =	sdelay $0x3  }
0x92: {  	_ =	strace s2  }
0x93: {  	s2 =	sld [smem:$0x3FFD];
	_ =	sdelay $0x3  }
0x94: {  	_ =	strace s2  }
0x95: {  	_ =	strace $0x8FFFFFFF  }
0x96: {  	s18 =	sld [smem:$0x3FDB];
	_ =	sdelay $0x1  }
0x97: {  	s3 =	simm.s32 $_scs_section_size  }
0x98: {  	s4 =	simm.s32 $_size__tile_overlayer_lowered;
	s5 =	simm.s32 $_tile_overlayer_lowered  }
0x99: {  	s21 =	simm.s32 $0x1BFF;
	s20 =	sshll.u32 s5, $0x1;
	s2 =	sadd.s32 s3, s18  }
0x9a: {  	s6 =	simm.s32 $0x0;
	s19 =	sshll.u32 s4, $0x1;
	s4 =	sadd.s32 s20, s2  }
0x9b: {  	[timem:s6], [sflag:s21] =	dma.local [hbm:s4], s19  }
0x9c: {  	_ =	swait.ge [sflag:s21], s19  }
0x9d: {  	s3 =	ssub.s32 $0x0, s19;
	[sflag:s21] =	ssyncset.done $0x0  }
0x9e: {  	[sflag:s21] =	ssyncadd.s32 s3;
	_ =	sdelay $0x1  }
0x9f: {  	s22 =	simm.s32 $0x1B8B  }
0xa0: {  	_ =	swait.ge [sflag:s22], $0x1  }
0xa1: {  	[sflag:s22] =	ssyncset.done $0x0  }
0xa2: {  	s23 =	simm.s32 $0x1B8E;
	[sflag:s22] =	ssyncadd.s32 $0xFFFFFFFF  }
0xa3: {  	s24 =	simm.s32 $execute0_lowered;
	[smem:$0x3FD2] =	sst s23  }
0xa4: {  	s3 =	sshll.u32 s24, $0x1;
	_ =	strace $0x80000046;
	[dreg:$0x1] =	wrdreg $0xFFFFFFFF  }
0xa5: {  	s25 =	simm.s32 $_size_execute0_lowered;
	s2 =	sadd.s32 s2, s3;
	[dreg:$0x0] =	wrdreg $0x0  }
0xa6: {  	s3 =	sshll.u32 s25, $0x1;
	[dreg:$0x2] =	wrdreg s2  }
0xa7: {  	[dreg:$0x3] =	wrdreg s3  }
0xa8: {  	[dreg:$0x4] =	wrdreg $0xC0  }
0xa9: {  	_ =	task [dreg:s6], $0x5FFFF  }
0xaa: {  	[dreg:$0x1] =	wrdreg $0xFFFFFFFF  }
0xab: {  	[dreg:$0x0] =	wrdreg $0x60  }
0xac: {  	[dreg:$0x2] =	wrdreg s0  }
0xad: {  	[dreg:$0x3] =	wrdreg s17  }
0xae: {  	[dreg:$0x4] =	wrdreg $0x9  }
0xaf: {  	_ =	task.clear_ibuf [dreg:s6], $0x5FFFF;
	_ =	strace $0x90000046  }
0xb0: {  	s26 =	simm.s32 $0x9;
	_ =	strace $0x80000048  }
0xb1: {  	_ =	swait.ge [sflag:s26], $0x1  }
0xb2: {  	[sflag:s26] =	ssyncadd.s32 $0xFFFFFFFF  }
0xb3: {  	_ =	strace $0x90000048  }
0xb4: {  	_ =	sfence  }
0xb5: {  	s28 =	sld [smem:$0x0];
	_ =	sdelay $0x1  }
0xb6: {  	s29 =	srdreg.scid  }
0xb7: {  	s30 =	sshll.u32 s29, $0xD;
	s31 =	sshrl.u32 s29, $0x2  }
0xb8: {  	s1 =	sand.u32 $0x1, s29;
	s2 =	sand.u32 $0x4000, s30;
	s0 =	sadd.s32 s31, s28  }
0xb9: {  	s1 =	sor.u32 s2, s1;
	s0 =	sshll.u32 s0, $0x11  }
0xba: {  	s0 =	sor.u32 s0, s1  }
0xbb: {  	s0 =	sadd.s32 $0x8F2B, s0  }
0xbc: {  	[sflag:s0] =	ssyncadd.remote.s32 $0x1  }
0xbd: {  	_ =	sfence.sel $0xFFFF  }
0xbe: {  	[dreg:$0x0] =	wrdreg $0xFFFFFFFF;
	(pc) =	sbr.abs _section_cstart, $3  }
0xbf: {  	[dreg:$0x1] =	wrdreg $0xFFFFFFFF  }
0xc0: {  	_ =	task.clear_ibuf [dreg:s6], $0x2FFFF;
	_ =	strace $0x9FFFFFFF  }
0xc1: {  	(tm) =	ssettm $0x7FFFFFFF  }
tec
execute0_lowered:
.L_overlay_start_1:
0x0: {  	(tag) =	ssettag $0x1  }
0x1: {  	s3 =	rddreg [dreg:$0x0]  }
0x2: {  	s1 =	rddreg [dreg:$0x1];
	s2 =	stileid.u32  }
0x3: {  	s0 =	rddreg [dreg:$0x2];
	_ =	strace $0x80000047;
	p0 =	sne.s32 s2, $0x0  }
0x4: {  	_ =	sfence.sel @p0 $0x180000  }
0x5: {  	[bflag:$0x0] =	sbarrier.arrive @p0 $0xFFFF  }
0x6: {  	_ =	strace @p0 $0x90000047  }
0x7: {  	[bflag:$0x2] =	sbarrier.arrive @p0 $0xFFFF  }
0x8: {  	_ =	shalt @p0  }
.LBB2_1:
0x9: {  	s2 =	simm.s32 $0x0;
	s31 =	simm.s32 $0x1  }
0xa: {  	[tilespmem:s2], [sflag:$0x1] =	stream.linear.gather [hbm4b:s3+s2], $0x4000, $0x38;
	[tilespmem:$0x4080] =	vst v63  }
0xb: {  	_ =	swait.ge [sflag:s31], $0x4000  }
0xc: {  	v0 =	vimm.s32 $0x0;
	v2 =	vimm.s32 $0x4000;
	[sflag:s31] =	ssyncset.done $0x0  }
0xd: {  	v3 =	vlaneseq.u32;
	v4 =	vimm.s32 $0x4000;
	v1 =	vimm.s32 $0x0;
	s3 =	simm.s32 $0xE;
	[sflag:s31] =	ssyncadd.s32 $0xFFFFC000  }
.LBB2_2:
0xe: {  	v5 =	vadd.s32 v1, v4  }
0xf: {  	v6 =	vshrl.u32 v5, $0x1F  }
0x10: {  	v5 =	vadd.s32 v6, v5  }
0x11: {  	v5 =	vshra.s32 v5, $0x1;
	_ =	sdelay $0x4  }
0x12: {  	v6 =	vld.idx.msk [tilespmem:v5+s2+$0x0], $0xffff  }
0x13: {  	p0 =	sne.s32 s3, $0x1  }
.Ltmp0:
0x14: {  	_ = 	snop;
	(pc) =	sbr.rel @p0 .LBB2_2-.Ltmp0, $3  }
0x15: {  	_ =	sdelay $0x1  }
0x16: {  	vm0 =	vlt.s32 v6, v3;
	v6 =	vadd.s32 $0x1, v5  }
0x17: {  	s3 =	sadd.s32 $0xFFFFFFFF, s3;
	v1 =	vsel vm0, v6, v1;
	v4 =	vsel vm0, v4, v5  }
0x18: {  	v3 =	vlaneseq.u32  }
0x19: {  	s2 =	simm.s32 $0x0;
	v4 =	vadd.s32 v0, v2;
	s3 =	simm.s32 $0xD;
	v3 =	vadd.s32 $0x1, v3  }
.LBB2_4:
0x1a: {  	p0 =	sne.s32 s3, $0x1;
	v5 =	vshrl.u32 v4, $0x1F  }
0x1b: {  	v4 =	vadd.s32 v5, v4  }
0x1c: {  	v4 =	vshra.s32 v4, $0x1;
	_ =	sdelay $0x4  }
0x1d: {  	v5 =	vld.idx.msk [tilespmem:v4+s2+$0x0], $0xffff;
	_ =	sdelay $0x3  }
.Ltmp1:
0x1e: {  	(pc) =	sbr.rel @p0 .LBB2_4-.Ltmp1, $4  }
0x1f: {  	_ = 	snop  }
0x20: {  	vm0 =	vlt.s32 v5, v3;
	v5 =	vadd.s32 $0x1, v4  }
0x21: {  	v0 =	vsel vm0, v5, v0;
	v2 =	vsel vm0, v2, v4  }
0x22: {  	s3 =	sadd.s32 $0xFFFFFFFF, s3;
	v4 =	vadd.s32 v0, v2  }
0x23: {  	v2 =	vshrl.u32 v4, $0x1F  }
0x24: {  	v2 =	vadd.s32 v2, v4  }
0x25: {  	v2 =	vshra.s32 v2, $0x1;
	_ =	sdelay $0x4  }
0x26: {  	v62 =	vld.idx.msk [tilespmem:v2+s2+$0x0], $0xffff  }
0x27: {  	v63 =	vimm.s32 $0x0;
	[tilespmem:$0x4000] =	vst v1  }
0x28: {  	[tilespmem:$0x4020] =	vst v63  }
0x29: {  	[tilespmem:$0x4030] =	vst v63  }
0x2a: {  	[tilespmem:$0x4040] =	vst v63  }
0x2b: {  	v2 =	vadd.s32 $0x1, v2;
	[tilespmem:$0x4050] =	vst v63;
	vm0 =	vlt.s32 v62, v3  }
0x2c: {  	[tilespmem:$0x4060] =	vst v63;
	v0 =	vsel vm0, v2, v0  }
0x2d: {  	[tilespmem:$0x4070] =	vst v63;
	v0 =	vsub.s32 v0, v1  }
0x2e: {  	s30 =	simm.s32 $0x0;
	s3 =	simm.s32 $0x4000;
	s31 =	simm.s32 $0x1;
	[tilespmem:$0x4010] =	vst v0  }
0x2f: {  	[hbm4b:s1+s30] =	stream.linear.scatter [tilespmem:s3], [sflag:$0x1], $0x80, $0x38;
	[tilespmem:$0x4080] =	vst v63  }
0x30: {  	_ =	swait.ge [sflag:s31], $0x80  }
0x31: {  	[sflag:s31] =	ssyncset.done $0x0  }
0x32: {  	[sflag:s31] =	ssyncadd.s32 $0xFFFFFF80  }
0x33: {  	_ =	sfence.sel $0x180000  }
0x34: {  	[bflag:$0x0] =	sbarrier.arrive $0xFFFF  }
0x35: {  	_ =	strace $0x90000047  }
0x36: {  	s0 =	sadd.s32 $0x100000, s0;
	[bflag:$0x2] =	sbarrier.arrive $0xFFFF  }
0x37: {  	[sflag:s0] =	ssyncadd.tile.s32 $0x1;
	_ =	shalt  }
.Lfunc_end2:
_tile_overlayer_lowered:
.L_overlay_start_2:
0x38: {  	(tag) =	ssettag $0x2  }
0x39: {  	s0 =	rddreg [dreg:$0x0];
	s2 =	stileid.u32  }
0x3a: {  	s1 =	rddreg [dreg:$0x1];
	p0 =	sne.s32 s2, $0x0  }
0x3b: {  	s3 =	rddreg [dreg:$0x2];
	[bflag:$0x3] =	sbarrier.arrive $0xFFFF;
	s2 =	simm.s32 @!p0 $0x1C01  }
0x3c: {  	[timem:s3], [sflag:s2] =	dma.local @!p0 [hbm:s0], s1  }
0x3d: {  	s0 =	simm.s32 @!p0 $0x1  }
0x3e: {  	_ =	swait.ge @!p0 [sflag:s0], s1  }
0x3f: {  	s1 =	ssub.s32 @!p0 $0x0, s1;
	[sflag:s0] =	ssyncset.done @!p0 $0x0  }
0x40: {  	[sflag:s0] =	ssyncadd.s32 @!p0 s1  }
0x41: {  	[bflag:$0x3] =	sbarrier.arrive $0xFFFF  }
0x42: {  	_ =	shalt  }

</sc_bundles>
